<compile_context>
chip_gen: v7x
topology: tpu7x:2x2x1
jax: 0.10.2.dev20260603
libtpu: 0.0.44.dev20260713+nightly
codegen_flags: <defaults>
</compile_context>

<pallas_src>
import functools

import jax
import jax.numpy as jnp
from jax import lax
from jax.experimental import pallas as pl
from jax.experimental.pallas import tpu as pltpu
from jax.experimental.pallas import tpu_sc as plsc

B = 32
T = 2048
F = 128
D = 64
ROWS_PER_WORKER = 8
TB = 256


def _sc_gather_kernel(table0, table1, idx0, idx1, e0_out, e1_out,
                      idx_v, rows_v, sem):
    nc = 2
    wid = lax.axis_index("s") * nc + lax.axis_index("c")
    nchunks = B // ROWS_PER_WORKER

    @pl.when(wid < nchunks)
    def _():
        base = wid * ROWS_PER_WORKER
        pltpu.sync_copy(idx0.at[pl.ds(base, ROWS_PER_WORKER)], idx_v)
        pltpu.async_copy(table0.at[idx_v], rows_v, sem).wait()
        pltpu.sync_copy(rows_v, e0_out.at[pl.ds(base, ROWS_PER_WORKER)])

    @pl.when((wid >= nchunks) & (wid < 2 * nchunks))
    def _():
        base = (wid - nchunks) * ROWS_PER_WORKER
        pltpu.sync_copy(idx1.at[pl.ds(base, ROWS_PER_WORKER)], idx_v)
        pltpu.async_copy(table1.at[idx_v], rows_v, sem).wait()
        pltpu.sync_copy(rows_v, e1_out.at[pl.ds(base, ROWS_PER_WORKER)])


@functools.partial(jax.jit, static_argnums=())
def _sc_gather(table0, table1, idx0, idx1):
    mesh = plsc.VectorSubcoreMesh(core_axis_name="c", subcore_axis_name="s")
    return pl.kernel(
        _sc_gather_kernel,
        out_type=(
            jax.ShapeDtypeStruct((B, D), jnp.float32),
            jax.ShapeDtypeStruct((B, D), jnp.float32),
        ),
        mesh=mesh,
        scratch_types=[
            pltpu.VMEM((ROWS_PER_WORKER,), jnp.int32),
            pltpu.VMEM((ROWS_PER_WORKER, D), jnp.float32),
            pltpu.SemaphoreType.DMA,
        ],
        compiler_params=pltpu.CompilerParams(use_tc_tiling_on_sc=False),
    )(table0, table1, idx0, idx1)


NSTEP = T // TB


def _in_cp(spec_ref, in_buf, sem_in, s, slot):
    return pltpu.make_async_copy(
        spec_ref.at[:, pl.ds(s * TB, TB), :], in_buf.at[slot], sem_in.at[slot])


def _out_cp(out_buf, out_ref, sem_out, s, slot):
    return pltpu.make_async_copy(
        out_buf.at[slot], out_ref.at[:, pl.ds(s * TB, TB), :],
        sem_out.at[slot])


def _tc_concat_kernel(spec_ref, e0_ref, e1_ref, out_ref,
                      in_buf, out_buf, sem_in, sem_out):
    s = pl.program_id(0)
    slot = lax.rem(s, 2)

    @pl.when(s == 0)
    def _():
        _in_cp(spec_ref, in_buf, sem_in, 0, 0).start()

    @pl.when(s + 1 < NSTEP)
    def _():
        _in_cp(spec_ref, in_buf, sem_in, s + 1, lax.rem(s + 1, 2)).start()

    @pl.when(s >= 2)
    def _():
        _out_cp(out_buf, out_ref, sem_out, s - 2, slot).wait()

    _in_cp(spec_ref, in_buf, sem_in, s, slot).wait()

    out_buf[slot, :, :, 0:F] = in_buf[slot]
    meta = jnp.concatenate([e0_ref[...], e1_ref[...]], axis=-1)
    out_buf[slot, :, :, F:F + 2 * D] = jnp.broadcast_to(meta, (B, TB, 2 * D))

    _out_cp(out_buf, out_ref, sem_out, s, slot).start()

    @pl.when(s == NSTEP - 1)
    def _():
        @pl.when(s >= 1)
        def _():
            _out_cp(out_buf, out_ref, sem_out, s - 1, lax.rem(s + 1, 2)).wait()
        _out_cp(out_buf, out_ref, sem_out, s, slot).wait()


def _tc_concat(spectrogram, e0, e1):
    return pl.pallas_call(
        _tc_concat_kernel,
        grid=(NSTEP,),
        in_specs=[
            pl.BlockSpec(memory_space=pl.ANY),
            pl.BlockSpec(memory_space=pltpu.VMEM),
            pl.BlockSpec(memory_space=pltpu.VMEM),
        ],
        out_specs=pl.BlockSpec(memory_space=pl.ANY),
        out_shape=jax.ShapeDtypeStruct((B, T, F + 2 * D), jnp.float32),
        scratch_shapes=[
            pltpu.VMEM((2, B, TB, F), jnp.float32),
            pltpu.VMEM((2, B, TB, F + 2 * D), jnp.float32),
            pltpu.SemaphoreType.DMA((2,)),
            pltpu.SemaphoreType.DMA((2,)),
        ],
        compiler_params=pltpu.CompilerParams(
            dimension_semantics=("arbitrary",),
        ),
    )(spectrogram, e0.reshape(B, 1, D), e1.reshape(B, 1, D))


def kernel(spectrogram, seq_metadata, table0, table1):
    idx0 = seq_metadata[:, 0].astype(jnp.int32)
    idx1 = seq_metadata[:, 1].astype(jnp.int32)
    e0, e1 = _sc_gather(table0, table1, idx0, idx1)
    return _tc_concat(spectrogram, e0, e1)

# --- scband reference (transcript-rebuilt; emitter-appended) ---
"""Pipeline reference for scband-encoder-7121055777134 (READ-ONLY COPY).

The authoritative reference and input builder live on the scoring server;
editing this copy changes nothing except your own understanding.
"""

import jax, jax.numpy as jnp
import numpy as np

BATCH = 32
NUM_FRAMES = 2048
FRAME_SIZE = 128
N_ATTRS = 2
VOCAB = 10000
EMBED_PER_ATTR = 128 // N_ATTRS  # 64


def setup_inputs(seed: int = 0) -> dict:
    key = jax.random.key(seed)
    k1, k2, k3, k4 = jax.random.split(key, 4)
    spectrogram = jax.random.normal(k1, (BATCH, NUM_FRAMES, FRAME_SIZE), dtype=jnp.float32)
    seq_metadata = jax.random.randint(k2, (BATCH, N_ATTRS), 0, VOCAB, dtype=jnp.int64 if jax.config.jax_enable_x64 else jnp.int32)
    # Learned per-attribute embedding tables (PaddingAndLazyEmbedding weights)
    table0 = jax.random.normal(k3, (VOCAB, EMBED_PER_ATTR), dtype=jnp.float32) * 0.02
    table1 = jax.random.normal(k4, (VOCAB, EMBED_PER_ATTR), dtype=jnp.float32) * 0.02
    return {
        "spectrogram": spectrogram,
        "seq_metadata": seq_metadata,
        "table0": table0,
        "table1": table1,
    }


def reference(spectrogram, seq_metadata, table0, table1):
    # Per-attribute embedding lookup (embed([metadata[i] ...]) in torch)
    e0 = jnp.take(table0, seq_metadata[:, 0], axis=0)  # [B, 64]
    e1 = jnp.take(table1, seq_metadata[:, 1], axis=0)  # [B, 64]
    # torch.cat(seq_metadata_, dim=1) -> [B, seq_meta_embed_size]
    meta = jnp.concatenate([e0, e1], axis=1)  # [B, 128]
    # unsqueeze(1).expand(-1, num_frames, -1)
    meta = jnp.broadcast_to(meta[:, None, :], (spectrogram.shape[0], spectrogram.shape[1], meta.shape[1]))
    # torch.cat([spectrogram, seq_metadata_], dim=2) -> [B, T, frame_size + seq_meta_embed_size]
    return jnp.concatenate([spectrogram, meta], axis=2)

if __name__ == "__main__":
    import jax
    _d = setup_inputs()
    print(jax.jit(kernel)(*tuple(_d.values())))

</pallas_src>

<mosaic_0001>
#map = affine_map<(d0, d1) -> (0, 0)>
#map1 = affine_map<(d0, d1) -> (0)>
module attributes {stable_mosaic.version = 14 : i64} {
  func.func @_sc_gather_kernel(%arg0: i32, %arg1: i32, %arg2: memref<10000x64xf32, #tpu.memory_space<hbm>>, %arg3: memref<10000x64xf32, #tpu.memory_space<hbm>>, %arg4: memref<32xi32, #tpu.memory_space<hbm>>, %arg5: memref<32xi32, #tpu.memory_space<hbm>>, %arg6: memref<32x64xf32, #tpu.memory_space<hbm>>, %arg7: memref<32x64xf32, #tpu.memory_space<hbm>>, %arg8: memref<8xi32, #tpu.memory_space<vmem>>, %arg9: memref<8x64xf32, #tpu.memory_space<vmem>>, %arg10: memref<!tpu.dma_semaphore, #tpu.memory_space<semaphore_mem>>) attributes {dimension_semantics = [#tpu.dimension_semantics<core_parallel>, #tpu.dimension_semantics<subcore_parallel>], iteration_bounds = array<i64: 2, 16>, scalar_prefetch = 0 : i64, scratch_operands = 3 : i64, tpu.core_type = #tpu.core_type<sc_vector_subcore>, window_params = [{transform_indices = #map}, {transform_indices = #map}, {transform_indices = #map1}, {transform_indices = #map1}, {transform_indices = #map}, {transform_indices = #map}]} {
    %mul3A = arith.constant 2 : i32
    %mul3A_0 = arith.muli %arg1, %mul3A : i32
    %add3A = arith.addi %mul3A_0, %arg0 : i32
    %lt3A = arith.constant 4 : i32
    %lt3A_1 = arith.cmpi slt, %add3A, %lt3A : i32
    %convert_element_type3A = arith.extui %lt3A_1 : i1 to i32
    %cond3A = arith.constant 0 : i32
    %cond3A_2 = arith.cmpi ne, %convert_element_type3A, %cond3A : i32
    scf.if %cond3A_2 {
      %mul3A_9 = arith.constant 8 : i32
      %mul3A_10 = arith.muli %add3A, %mul3A_9 : i32
      "tpu.region"() ({
        %run_scoped3A = tpu.sem_alloc : memref<!tpu.dma_semaphore, #tpu.memory_space<semaphore_mem>>
        %dma_start3A_15 = tpu.memref_slice %arg4[%mul3A_10] : memref<32xi32, #tpu.memory_space<hbm>> -> memref<8xi32, #tpu.memory_space<hbm>>
        %dma_start3A_16 = tpu.memref_slice %arg4[%mul3A_10] : memref<32xi32, #tpu.memory_space<hbm>> -> memref<8xi32, #tpu.memory_space<hbm>>
        tpu.enqueue_dma source(%dma_start3A_16 : memref<8xi32, #tpu.memory_space<hbm>>) target(%arg8 : memref<8xi32, #tpu.memory_space<vmem>>) target_semaphore(%run_scoped3A : memref<!tpu.dma_semaphore, #tpu.memory_space<semaphore_mem>>)
        %dma_wait3A_17 = tpu.memref_slice %arg4[%mul3A_10] : memref<32xi32, #tpu.memory_space<hbm>> -> memref<8xi32, #tpu.memory_space<hbm>>
        %dma_wait3A_18 = tpu.memref_slice %arg4[%mul3A_10] : memref<32xi32, #tpu.memory_space<hbm>> -> memref<8xi32, #tpu.memory_space<hbm>>
        tpu.wait_dma2 semaphore(%run_scoped3A : memref<!tpu.dma_semaphore, #tpu.memory_space<semaphore_mem>>) src(%dma_wait3A_18 : memref<8xi32, #tpu.memory_space<hbm>>) dst(%arg8 : memref<8xi32, #tpu.memory_space<vmem>>)
        tpu.yield
      }) : () -> ()
      %dma_start3A = arith.constant 0 : i32
      %dma_start3A_11 = arith.constant 0 : i32
      %dma_start3A_12 = tpu.memref_slice %arg2[%dma_start3A, %dma_start3A_11] : memref<10000x64xf32, #tpu.memory_space<hbm>> -> memref<10000x64xf32, #tpu.memory_space<hbm>>
      tpu.enqueue_indirect_dma source(%dma_start3A_12 : memref<10000x64xf32, #tpu.memory_space<hbm>>) target(%arg9 : memref<8x64xf32, #tpu.memory_space<vmem>>) offsets(%arg8 : memref<8xi32, #tpu.memory_space<vmem>>) semaphore(%arg10 : memref<!tpu.dma_semaphore, #tpu.memory_space<semaphore_mem>>)
      %dma_wait3A = arith.constant 0 : i32
      %dma_wait3A_13 = arith.constant 0 : i32
      %dma_wait3A_14 = tpu.memref_slice %arg2[%dma_wait3A, %dma_wait3A_13] : memref<10000x64xf32, #tpu.memory_space<hbm>> -> memref<10000x64xf32, #tpu.memory_space<hbm>>
      tpu.wait_indirect_dma semaphore(%arg10 : memref<!tpu.dma_semaphore, #tpu.memory_space<semaphore_mem>>) src(%dma_wait3A_14 : memref<10000x64xf32, #tpu.memory_space<hbm>>) dst(%arg9 : memref<8x64xf32, #tpu.memory_space<vmem>>)
      "tpu.region"() ({
        %run_scoped3A = tpu.sem_alloc : memref<!tpu.dma_semaphore, #tpu.memory_space<semaphore_mem>>
        %dma_start3A_15 = arith.constant 0 : i32
        %dma_start3A_16 = tpu.memref_slice %arg6[%mul3A_10, %dma_start3A_15] : memref<32x64xf32, #tpu.memory_space<hbm>> -> memref<8x64xf32, #tpu.memory_space<hbm>>
        %dma_start3A_17 = arith.constant 0 : i32
        %dma_start3A_18 = tpu.memref_slice %arg6[%mul3A_10, %dma_start3A_17] : memref<32x64xf32, #tpu.memory_space<hbm>> -> memref<8x64xf32, #tpu.memory_space<hbm>>
        tpu.enqueue_dma source(%arg9 : memref<8x64xf32, #tpu.memory_space<vmem>>) target(%dma_start3A_18 : memref<8x64xf32, #tpu.memory_space<hbm>>) target_semaphore(%run_scoped3A : memref<!tpu.dma_semaphore, #tpu.memory_space<semaphore_mem>>)
        %dma_wait3A_19 = arith.constant 0 : i32
        %dma_wait3A_20 = tpu.memref_slice %arg6[%mul3A_10, %dma_wait3A_19] : memref<32x64xf32, #tpu.memory_space<hbm>> -> memref<8x64xf32, #tpu.memory_space<hbm>>
        %dma_wait3A_21 = arith.constant 0 : i32
        %dma_wait3A_22 = tpu.memref_slice %arg6[%mul3A_10, %dma_wait3A_21] : memref<32x64xf32, #tpu.memory_space<hbm>> -> memref<8x64xf32, #tpu.memory_space<hbm>>
        tpu.wait_dma2 semaphore(%run_scoped3A : memref<!tpu.dma_semaphore, #tpu.memory_space<semaphore_mem>>) src(%arg9 : memref<8x64xf32, #tpu.memory_space<vmem>>) dst(%dma_wait3A_22 : memref<8x64xf32, #tpu.memory_space<hbm>>)
        tpu.yield
      }) : () -> ()
    } else {
    }
    %ge3A = arith.constant 4 : i32
    %ge3A_3 = arith.cmpi sge, %add3A, %ge3A : i32
    %lt3A_4 = arith.constant 8 : i32
    %lt3A_5 = arith.cmpi slt, %add3A, %lt3A_4 : i32
    %and3A = arith.andi %ge3A_3, %lt3A_5 : i1
    %convert_element_type3A_6 = arith.extui %and3A : i1 to i32
    %cond3A_7 = arith.constant 0 : i32
    %cond3A_8 = arith.cmpi ne, %convert_element_type3A_6, %cond3A_7 : i32
    scf.if %cond3A_8 {
      %sub3A = arith.constant 4 : i32
      %sub3A_9 = arith.subi %add3A, %sub3A : i32
      %mul3A_10 = arith.constant 8 : i32
      %mul3A_11 = arith.muli %sub3A_9, %mul3A_10 : i32
      "tpu.region"() ({
        %run_scoped3A = tpu.sem_alloc : memref<!tpu.dma_semaphore, #tpu.memory_space<semaphore_mem>>
        %dma_start3A_16 = tpu.memref_slice %arg5[%mul3A_11] : memref<32xi32, #tpu.memory_space<hbm>> -> memref<8xi32, #tpu.memory_space<hbm>>
        %dma_start3A_17 = tpu.memref_slice %arg5[%mul3A_11] : memref<32xi32, #tpu.memory_space<hbm>> -> memref<8xi32, #tpu.memory_space<hbm>>
        tpu.enqueue_dma source(%dma_start3A_17 : memref<8xi32, #tpu.memory_space<hbm>>) target(%arg8 : memref<8xi32, #tpu.memory_space<vmem>>) target_semaphore(%run_scoped3A : memref<!tpu.dma_semaphore, #tpu.memory_space<semaphore_mem>>)
        %dma_wait3A_18 = tpu.memref_slice %arg5[%mul3A_11] : memref<32xi32, #tpu.memory_space<hbm>> -> memref<8xi32, #tpu.memory_space<hbm>>
        %dma_wait3A_19 = tpu.memref_slice %arg5[%mul3A_11] : memref<32xi32, #tpu.memory_space<hbm>> -> memref<8xi32, #tpu.memory_space<hbm>>
        tpu.wait_dma2 semaphore(%run_scoped3A : memref<!tpu.dma_semaphore, #tpu.memory_space<semaphore_mem>>) src(%dma_wait3A_19 : memref<8xi32, #tpu.memory_space<hbm>>) dst(%arg8 : memref<8xi32, #tpu.memory_space<vmem>>)
        tpu.yield
      }) : () -> ()
      %dma_start3A = arith.constant 0 : i32
      %dma_start3A_12 = arith.constant 0 : i32
      %dma_start3A_13 = tpu.memref_slice %arg3[%dma_start3A, %dma_start3A_12] : memref<10000x64xf32, #tpu.memory_space<hbm>> -> memref<10000x64xf32, #tpu.memory_space<hbm>>
      tpu.enqueue_indirect_dma source(%dma_start3A_13 : memref<10000x64xf32, #tpu.memory_space<hbm>>) target(%arg9 : memref<8x64xf32, #tpu.memory_space<vmem>>) offsets(%arg8 : memref<8xi32, #tpu.memory_space<vmem>>) semaphore(%arg10 : memref<!tpu.dma_semaphore, #tpu.memory_space<semaphore_mem>>)
      %dma_wait3A = arith.constant 0 : i32
      %dma_wait3A_14 = arith.constant 0 : i32
      %dma_wait3A_15 = tpu.memref_slice %arg3[%dma_wait3A, %dma_wait3A_14] : memref<10000x64xf32, #tpu.memory_space<hbm>> -> memref<10000x64xf32, #tpu.memory_space<hbm>>
      tpu.wait_indirect_dma semaphore(%arg10 : memref<!tpu.dma_semaphore, #tpu.memory_space<semaphore_mem>>) src(%dma_wait3A_15 : memref<10000x64xf32, #tpu.memory_space<hbm>>) dst(%arg9 : memref<8x64xf32, #tpu.memory_space<vmem>>)
      "tpu.region"() ({
        %run_scoped3A = tpu.sem_alloc : memref<!tpu.dma_semaphore, #tpu.memory_space<semaphore_mem>>
        %dma_start3A_16 = arith.constant 0 : i32
        %dma_start3A_17 = tpu.memref_slice %arg7[%mul3A_11, %dma_start3A_16] : memref<32x64xf32, #tpu.memory_space<hbm>> -> memref<8x64xf32, #tpu.memory_space<hbm>>
        %dma_start3A_18 = arith.constant 0 : i32
        %dma_start3A_19 = tpu.memref_slice %arg7[%mul3A_11, %dma_start3A_18] : memref<32x64xf32, #tpu.memory_space<hbm>> -> memref<8x64xf32, #tpu.memory_space<hbm>>
        tpu.enqueue_dma source(%arg9 : memref<8x64xf32, #tpu.memory_space<vmem>>) target(%dma_start3A_19 : memref<8x64xf32, #tpu.memory_space<hbm>>) target_semaphore(%run_scoped3A : memref<!tpu.dma_semaphore, #tpu.memory_space<semaphore_mem>>)
        %dma_wait3A_20 = arith.constant 0 : i32
        %dma_wait3A_21 = tpu.memref_slice %arg7[%mul3A_11, %dma_wait3A_20] : memref<32x64xf32, #tpu.memory_space<hbm>> -> memref<8x64xf32, #tpu.memory_space<hbm>>
        %dma_wait3A_22 = arith.constant 0 : i32
        %dma_wait3A_23 = tpu.memref_slice %arg7[%mul3A_11, %dma_wait3A_22] : memref<32x64xf32, #tpu.memory_space<hbm>> -> memref<8x64xf32, #tpu.memory_space<hbm>>
        tpu.wait_dma2 semaphore(%run_scoped3A : memref<!tpu.dma_semaphore, #tpu.memory_space<semaphore_mem>>) src(%arg9 : memref<8x64xf32, #tpu.memory_space<vmem>>) dst(%dma_wait3A_23 : memref<8x64xf32, #tpu.memory_space<hbm>>)
        tpu.yield
      }) : () -> ()
    } else {
    }
    return
  }
}

</mosaic_0001>

<sc_bundles>
// kernel: _sc_gather.3.cloned.1.call-start
scs
__scs_entry_jumppad:
0x0: {  	(pc) =	sbr.rel $0x88, $3  }
0x1: {  	(tag) =	ssettag $0x0;
	lr =	simm.s32 $0x1  }
0x2: {  	[smem:$0x3F9D] =	sst lr;
	_ =	strace $0xD0000000  }
0x3: {  	_ = 	snop  }
0x4: {  	_ = 	snop  }
0x5: {  	_ = 	snop  }
0x6: {  	_ = 	snop  }
0x7: {  	_ = 	snop  }
__scs_overlays_trampoline_lowered:
0x8: {  	[smem:$0x3FAC] =	sst s0  }
0x9: {  	[smem:$0x3FAD] =	sst s1  }
0xa: {  	[smem:$0x3FAE] =	sst s2  }
0xb: {  	[smem:$0x3FAF] =	sst s3  }
0xc: {  	[smem:$0x3FB0] =	sst s4  }
0xd: {  	[smem:$0x3FB1] =	sst s5  }
0xe: {  	[smem:$0x3FB2] =	sst s6  }
0xf: {  	[smem:$0x3FB3] =	sst s7  }
0x10: {  	[smem:$0x3FB4] =	sst s8  }
0x11: {  	[smem:$0x3FB5] =	sst s9;
	s0 =	simm.s32 @!p0 $0x0  }
0x12: {  	s1 =	sld [smem:$0x3F9B];
	s0 =	simm.s32 @p0 $0x1  }
0x13: {  	[smem:$0x3FB6] =	sst s0;
	s0 =	simm.s32 @!p1 $0x0  }
0x14: {  	s2 =	sld [smem:$0x3F9A];
	s0 =	simm.s32 @p1 $0x1  }
0x15: {  	[smem:$0x3FB7] =	sst s0;
	s0 =	simm.s32 @!p2 $0x0  }
0x16: {  	s3 =	sld [smem:$0x3FDB];
	s0 =	simm.s32 @p2 $0x1  }
0x17: {  	s4 =	simm.s32 $0x1BF5;
	[smem:$0x3FB9] =	sst s0  }
0x18: {  	s0 =	sld [smem:$0x3F9C];
	_ =	swait.ge [sflag:s4], $0x0  }
0x19: {  	s7 =	sld [smem:$0x3F9D]  }
0x1a: {  	s8 =	sadd.s32 $0xFFFFE003, lr  }
0x1b: {  	s9 =	sadd.s32 $0xFFFFFEF7, lr;
	s5 =	simm.s32 $0xFFFFFFFF;
	p2 =	slt.u32 s8, $0xFFFFF086  }
0x1c: {  	p1 =	slt.u32 s9, $0xF7A;
	s5 =	simm.s32 @!p2 $0x0  }
0x1d: {  	s5 =	simm.s32 @p1 $0x1;
	p0 =	seq.s32 s7, s2  }
0x1e: {  	s7 =	smul.u32 @!p0 $0xF7A, s2;
	p2 =	seq.s32 @!p0 s5, $0x0  }
0x1f: {  	s9 =	smul.u32 $0xF7A, s1;
	s8 =	simm.s32 @!p0 $0x1BF5;
	p2 =	por !p2, p0  }
0x20: {  	[sflag:s8] =	ssyncset.s32 @!p0 $0xFFFFF086;
	s6 =	sadd.s32 @!p0 s3, s7;
	s7 =	simm.s32 @!p0 $0x108  }
0x21: {  	s3 =	sadd.s32 s3, s9;
	s6 =	sadd.s32 @!p0 $0x88, s6;
	s7 =	simm.s32 @p2 $0x1082  }
0x22: {  	[simem:s7], [sflag:s8] =	dma.local @!p0 [hbm:s6], $0xF7A  }
0x23: {  	s9 =	sor.u32 $0xD0000000, s2;
	s6 =	simm.s32 $0x108;
	_ =	swait.ge @!p0 [sflag:s8], $0x0  }
0x24: {  	s3 =	sadd.s32 $0x88, s3;
	s6 =	simm.s32 @!p1 $0x1082;
	[sflag:s4] =	ssyncset.s32 $0xFFFFF086  }
0x25: {  	[simem:s6], [sflag:s4] =	dma.local [hbm:s3], $0xF7A  }
0x26: {  	[smem:$0x3F9D] =	sst s1;
	(tag) =	ssettag s2;
	_ =	strace s9  }
0x27: {  	s1 =	sld [smem:$0x3FAD]  }
0x28: {  	s2 =	sld [smem:$0x3FAE]  }
0x29: {  	s4 =	sld [smem:$0x3FB0]  }
0x2a: {  	p0 =	seq.s32 s5, $0x0;
	s5 =	sld [smem:$0x3FB1]  }
0x2b: {  	s6 =	sld [smem:$0x3FB2]  }
0x2c: {  	s7 =	sld [smem:$0x3FB3]  }
0x2d: {  	s3 =	simm.s32 $0x108;
	s8 =	sld [smem:$0x3FB4]  }
0x2e: {  	s3 =	simm.s32 @!p0 $0x1082;
	s9 =	sld [smem:$0x3FB5]  }
0x2f: {  	lr =	sadd.s32 s0, s3;
	s0 =	sld [smem:$0x3FAC]  }
0x30: {  	s3 =	sld [smem:$0x3FAF]  }
0x31: {  	[smem:$0x3FB8] =	sst s10  }
0x32: {  	s10 =	sld [smem:$0x3FB6];
	_ =	sdelay $0x3  }
0x33: {  	p0 =	seq.s32 s10, $0x1;
	s10 =	sld [smem:$0x3FB8];
	_ =	sdelay $0x3  }
0x34: {  	[smem:$0x3FB8] =	sst s10  }
0x35: {  	s10 =	sld [smem:$0x3FB7];
	_ =	sdelay $0x3  }
0x36: {  	p1 =	seq.s32 s10, $0x1;
	s10 =	sld [smem:$0x3FB8];
	_ =	sdelay $0x3  }
0x37: {  	[smem:$0x3FB8] =	sst s10  }
0x38: {  	s10 =	sld [smem:$0x3FB9]  }
0x39: {  	_ = 	snop;
	(pc) =	sbr.ind lr, $3  }
0x3a: {  	_ = 	snop  }
0x3b: {  	_ = 	snop  }
0x3c: {  	p2 =	seq.s32 s10, $0x1;
	s10 =	sld [smem:$0x3FB8]  }
0x3d: {  	_ =	shalt  }
0x3e: {  	_ =	shalt  }
0x3f: {  	_ =	shalt  }
0x40: {  	_ =	shalt  }
0x41: {  	_ =	shalt  }
0x42: {  	_ =	shalt  }
0x43: {  	_ =	shalt  }
0x44: {  	_ =	shalt  }
0x45: {  	_ =	shalt  }
0x46: {  	_ =	shalt  }
0x47: {  	_ =	shalt  }
0x48: {  	_ =	shalt  }
0x49: {  	_ =	shalt  }
0x4a: {  	_ =	shalt  }
0x4b: {  	_ =	shalt  }
0x4c: {  	_ =	shalt  }
0x4d: {  	_ =	shalt  }
0x4e: {  	_ =	shalt  }
0x4f: {  	_ =	shalt  }
0x50: {  	_ =	shalt  }
0x51: {  	_ =	shalt  }
0x52: {  	_ =	shalt  }
0x53: {  	_ =	shalt  }
0x54: {  	_ =	shalt  }
0x55: {  	_ =	shalt  }
0x56: {  	_ =	shalt  }
0x57: {  	_ =	shalt  }
0x58: {  	_ =	shalt  }
0x59: {  	_ =	shalt  }
0x5a: {  	_ =	shalt  }
0x5b: {  	_ =	shalt  }
0x5c: {  	_ =	shalt  }
0x5d: {  	_ =	shalt  }
0x5e: {  	_ =	shalt  }
0x5f: {  	_ =	shalt  }
0x60: {  	_ =	shalt  }
0x61: {  	_ =	shalt  }
0x62: {  	_ =	shalt  }
0x63: {  	_ =	shalt  }
0x64: {  	_ =	shalt  }
0x65: {  	_ =	shalt  }
0x66: {  	_ =	shalt  }
0x67: {  	_ =	shalt  }
0x68: {  	_ =	shalt  }
0x69: {  	_ =	shalt  }
0x6a: {  	_ =	shalt  }
0x6b: {  	_ =	shalt  }
0x6c: {  	_ =	shalt  }
0x6d: {  	_ =	shalt  }
0x6e: {  	_ =	shalt  }
0x6f: {  	_ =	shalt  }
0x70: {  	_ =	shalt  }
0x71: {  	_ =	shalt  }
0x72: {  	_ =	shalt  }
0x73: {  	_ =	shalt  }
0x74: {  	_ =	shalt  }
0x75: {  	_ =	shalt  }
0x76: {  	_ =	shalt  }
0x77: {  	_ =	shalt  }
0x78: {  	_ =	shalt  }
0x79: {  	_ =	shalt  }
0x7a: {  	_ =	shalt  }
0x7b: {  	_ =	shalt  }
0x7c: {  	_ =	shalt  }
0x7d: {  	_ =	shalt  }
0x7e: {  	_ =	shalt  }
0x7f: {  	_ =	shalt  }
0x80: {  	_ =	shalt  }
0x81: {  	_ =	shalt  }
0x82: {  	_ =	shalt  }
0x83: {  	_ =	shalt  }
0x84: {  	_ =	shalt  }
0x85: {  	_ =	shalt  }
0x86: {  	_ =	shalt  }
0x87: {  	_ =	shalt  }
.Lfunc_end0:
.L_simem_size_0:
called_computation_lowered:
.L_overlay_start_0:
0x88: {  	s2 =	sld [smem:$0x3FD9]  }
0x89: {  	s3 =	sld [smem:$0x3FFE];
	_ =	sdelay $0x1  }
0x8a: {  	s1 =	srdreg.scid  }
0x8b: {  	s0 =	sand.u32 $0x1, s1  }
0x8c: {  	s14 =	sshll.u32 s0, $0xA;
	s2 =	sadd.s32 s3, s2  }
0x8d: {  	s2 =	sadd.s32 s2, s14  }
0x8e: {  	[smem:$0x3FC4] =	sst s2  }
0x8f: {  	_ = 	snop  }
0x90: {  	s2 =	sld [smem:$0x3FD0];
	_ =	sdelay $0x1  }
0x91: {  	s15 =	sld [smem:$0x3FC7]  }
0x92: {  	s5 =	simm.s32 $0xA;
	s6 =	simm.s32 $0x10;
	s4 =	sld [smem:$0x3FC6]  }
0x93: {  	[smem:s6], [sflag:s5] =	dma.local [hbm:s2], $0x1  }
0x94: {  	_ =	swait.eq [sflag:s5], $0x1  }
0x95: {  	[sflag:s5] =	ssyncset.done $0x0  }
0x96: {  	[sflag:s5] =	ssyncadd.s32 $0xFFFFFFFF  }
0x97: {  	s16 =	sld [smem:$0x10];
	(tm) =	ssettm $0x1  }
0x98: {  	s17 =	sld [smem:$0x3FFB];
	_ =	sdelay $0x3  }
0x99: {  	_ =	strace s17  }
0x9a: {  	s5 =	sld [smem:$0x3FFC];
	_ =	sdelay $0x3  }
0x9b: {  	_ =	strace s5  }
0x9c: {  	s5 =	sld [smem:$0x3FFD];
	_ =	sdelay $0x3  }
0x9d: {  	_ =	strace s5  }
0x9e: {  	_ =	strace $0x8FFFFFFF  }
0x9f: {  	s18 =	sld [smem:$0x3FDB];
	_ =	sdelay $0x1  }
0xa0: {  	s19 =	simm.s32 $_scs_section_size  }
0xa1: {  	s7 =	simm.s32 $_size__tile_overlayer_lowered;
	s8 =	simm.s32 $_tile_overlayer_lowered  }
0xa2: {  	s22 =	simm.s32 $0x1BFF;
	s21 =	sshll.u32 s8, $0x1;
	s5 =	sadd.s32 s19, s18  }
0xa3: {  	s9 =	simm.s32 $0x0;
	s20 =	sshll.u32 s7, $0x1;
	s7 =	sadd.s32 s21, s5  }
0xa4: {  	[timem:s9], [sflag:s22] =	dma.local [hbm:s7], s20  }
0xa5: {  	_ =	swait.ge [sflag:s22], s20  }
0xa6: {  	s6 =	ssub.s32 $0x0, s20;
	[sflag:s22] =	ssyncset.done $0x0  }
0xa7: {  	[sflag:s22] =	ssyncadd.s32 s6;
	_ =	sdelay $0x1  }
0xa8: {  	s23 =	simm.s32 $0x1B8B  }
0xa9: {  	_ =	swait.ge [sflag:s23], $0x1  }
0xaa: {  	[sflag:s23] =	ssyncset.done $0x0  }
0xab: {  	s25 =	simm.s32 $0x1B8E;
	s24 =	sld [smem:$0x3FFE];
	[sflag:s23] =	ssyncadd.s32 $0xFFFFFFFF  }
0xac: {  	s26 =	simm.s32 $execute0_lowered;
	[smem:$0x3FD2] =	sst s25  }
0xad: {  	s7 =	sshll.u32 s26, $0x1;
	_ =	strace $0x80000046;
	[dreg:$0x1] =	wrdreg $0xFFFFFFFF  }
0xae: {  	s28 =	simm.s32 $_size_execute0_lowered;
	s5 =	sadd.s32 s5, s7;
	[dreg:$0x0] =	wrdreg $0x0  }
0xaf: {  	s7 =	sshll.u32 s28, $0x1;
	[dreg:$0x2] =	wrdreg s5  }
0xb0: {  	[dreg:$0x3] =	wrdreg s7  }
0xb1: {  	[dreg:$0x4] =	wrdreg $0xC0  }
0xb2: {  	_ =	task [dreg:s9], $0x5FFFF  }
0xb3: {  	[dreg:$0x1] =	wrdreg $0xFFFFFFFF  }
0xb4: {  	[dreg:$0x0] =	wrdreg $0x60  }
0xb5: {  	[dreg:$0x2] =	wrdreg s24  }
0xb6: {  	[dreg:$0x3] =	wrdreg s15  }
0xb7: {  	[dreg:$0x4] =	wrdreg s4  }
0xb8: {  	[dreg:$0x5] =	wrdreg s16  }
0xb9: {  	[dreg:$0x6] =	wrdreg $0x9  }
0xba: {  	_ =	task.clear_ibuf [dreg:s9], $0x7FFFF;
	_ =	strace $0x90000046  }
0xbb: {  	s29 =	simm.s32 $0x9;
	_ =	strace $0x80000048  }
0xbc: {  	_ =	swait.ge [sflag:s29], $0x1  }
0xbd: {  	[sflag:s29] =	ssyncadd.s32 $0xFFFFFFFF  }
0xbe: {  	_ =	strace $0x90000048  }
0xbf: {  	_ =	sfence  }
0xc0: {  	s30 =	sld [smem:$0x0];
	_ =	sdelay $0x2  }
0xc1: {  	s31 =	sshll.u32 s1, $0xD;
	s1 =	sshrl.u32 s1, $0x2  }
0xc2: {  	s3 =	sand.u32 $0x4000, s31;
	s1 =	sadd.s32 s1, s30  }
0xc3: {  	s0 =	sor.u32 s3, s0;
	s1 =	sshll.u32 s1, $0x11  }
0xc4: {  	s0 =	sor.u32 s1, s0  }
0xc5: {  	s0 =	sadd.s32 $0x8F2B, s0  }
0xc6: {  	[sflag:s0] =	ssyncadd.remote.s32 $0x1  }
0xc7: {  	_ =	sfence.sel $0xFFFF  }
0xc8: {  	[dreg:$0x0] =	wrdreg $0xFFFFFFFF;
	(pc) =	sbr.abs _section_cstart, $3  }
0xc9: {  	[dreg:$0x1] =	wrdreg $0xFFFFFFFF  }
0xca: {  	_ =	task.clear_ibuf [dreg:s9], $0x2FFFF;
	_ =	strace $0x9FFFFFFF  }
0xcb: {  	(tm) =	ssettm $0x7FFFFFFF  }
tec
execute0_lowered:
.L_overlay_start_1:
0x0: {  	(tag) =	ssettag $0x1  }
0x1: {  	s3 =	rddreg [dreg:$0x0];
	s4 =	srdreg.scid  }
0x2: {  	s5 =	rddreg [dreg:$0x1];
	s1 =	stileid.u32;
	s25 =	sand.u32 $0x1, s4  }
0x3: {  	s2 =	simm.s32 $0x0;
	s26 =	sshll.u32 s1, $0x1;
	s7 =	ssub.s32 $0x2, s25  }
0x4: {  	[smem:$0x7FF] =	sst s2;
	s9 =	sor.u32 s25, s26;
	s11 =	sshrl.u32 s7, $0x1  }
0x5: {  	s4 =	sadd.s32 $0xA00, s3;
	s10 =	sshll.u32 s9, $0x6;
	s28 =	ssub.s32 s7, s11  }
0x6: {  	s2 =	sadd.s32 $0x14400, s3;
	s3 =	sadd.s32 s10, s3;
	s10 =	smax.u32 s28, $0x1  }
0x7: {  	s6 =	rddreg [dreg:$0x2];
	s16 =	sadd.s32 $0xFFFFFFFF, s10  }
0x8: {  	s8 =	rddreg [dreg:$0x3];
	p3 =	sne.s32 s16, $0x0  }
.Ltmp0:
0x9: {  	s0 =	rddreg [dreg:$0x4];
	p2 =	por $0x0, $0x0;
	(pc) =	sbr.rel @!p3 .LBB2_3-.Ltmp0, $4  }
0xa: {  	s30 =	sand.u32 $0xE, s1;
	p1 =	sgt.u32 s1, $0x1;
	s29 =	sshll.u32 s9, $0x3  }
0xb: {  	s7 =	sadd.s32 s5, s9;
	s5 =	sadd.s32 $0x27E00, s3;
	s3 =	sadd.s32 $0xFFFFFFE0, s29  }
0xc: {  	_ =	strace $0x80000047;
	s31 =	sshrl.u32 s3, $0x3;
	s3 =	sshll.u32 s3, $0x3  }
0xd: {  	p0 =	sne.s32 s30, $0x2;
	s6 =	sadd.s32 s6, s31;
	s3 =	sadd.s32 s8, s3  }
0xe: {  	s8 =	simm.s32 @!p1 $0x0;
	s9 =	simm.s32 @!p1 $0x2  }
0xf: {  	[tilespmem:s8], [sflag:$0x2] =	stream.linear.gather @!p1 [hbm4b:s7+s8], $0x8, $0x38;
	[tilespmem:$0x208] =	vst v63  }
0x10: {  	_ =	swait.ge @!p1 [sflag:s9], $0x8  }
0x11: {  	[sflag:s9] =	ssyncset.done @!p1 $0x0  }
0x12: {  	s10 =	simm.s32 @!p1 $0x8;
	s11 =	simm.s32 @!p1 $0x1;
	[sflag:s9] =	ssyncadd.s32 @!p1 $0xFFFFFFF8  }
0x13: {  	[tilespmem:s10], [sflag:$0x1] =	stream.indirect.gather @!p1 [hbm4b:s4+s10], $0x40, s8, s10, $0xb8;
	[tilespmem:$0x208] =	vst v63  }
0x14: {  	_ =	swait.ge @!p1 [sflag:s11], $0x200  }
0x15: {  	[sflag:s11] =	ssyncset.done @!p1 $0x0  }
0x16: {  	[sflag:s11] =	ssyncadd.s32 @!p1 $0xFFFFFE00  }
0x17: {  	[hbm4b:s5+s8] =	stream.linear.scatter @!p1 [tilespmem:s10], [sflag:$0x2], $0x200, $0x38;
	[tilespmem:$0x208] =	vst v63  }
0x18: {  	_ =	swait.ge @!p1 [sflag:s9], $0x200  }
0x19: {  	[sflag:s9] =	ssyncset.done @!p1 $0x0  }
0x1a: {  	s13 =	simm.s32 @!p0 $0x0;
	s12 =	simm.s32 @!p0 $0x2;
	[sflag:s9] =	ssyncadd.s32 @!p1 $0xFFFFFE00  }
0x1b: {  	[tilespmem:s13], [sflag:$0x2] =	stream.linear.gather @!p0 [hbm4b:s6+s13], $0x8, $0x38;
	[tilespmem:$0x208] =	vst v63  }
0x1c: {  	_ =	swait.ge @!p0 [sflag:s12], $0x8  }
0x1d: {  	s14 =	simm.s32 @!p0 $0x8;
	[sflag:s12] =	ssyncset.done @!p0 $0x0  }
0x1e: {  	s15 =	simm.s32 @!p0 $0x1;
	s16 =	sadd.s32 $0xFFFFFFFF, s16;
	[sflag:s12] =	ssyncadd.s32 @!p0 $0xFFFFFFF8  }
0x1f: {  	[tilespmem:s14], [sflag:$0x1] =	stream.indirect.gather @!p0 [hbm4b:s2+s14], $0x40, s13, s14, $0xb8;
	[tilespmem:$0x208] =	vst v63  }
0x20: {  	p3 =	sne.s32 s16, $0x0;
	_ =	swait.ge @!p0 [sflag:s15], $0x200  }
.Ltmp1:
0x21: {  	[sflag:s15] =	ssyncset.done @!p0 $0x0;
	(pc) =	sbr.rel @!p3 .LBB2_3-.Ltmp1, $4  }
0x22: {  	[sflag:s15] =	ssyncadd.s32 @!p0 $0xFFFFFE00  }
0x23: {  	[hbm4b:s3+s13] =	stream.linear.scatter @!p0 [tilespmem:s14], [sflag:$0x2], $0x200, $0x38;
	[tilespmem:$0x208] =	vst v63  }
0x24: {  	_ =	swait.ge @!p0 [sflag:s12], $0x200  }
0x25: {  	p2 =	por $0x1, $0x1;
	[sflag:s12] =	ssyncset.done @!p0 $0x0  }
.LBB2_2:
0x26: {  	[sflag:s12] =	ssyncadd.s32 @!p0 $0xFFFFFE00  }
0x27: {  	[tilespmem:s8], [sflag:$0x2] =	stream.linear.gather @!p1 [hbm4b:s7+s8], $0x8, $0x38;
	[tilespmem:$0x208] =	vst v63  }
0x28: {  	s16 =	sadd.s32 $0xFFFFFFFF, s16;
	_ =	swait.ge @!p1 [sflag:s9], $0x8  }
0x29: {  	p3 =	sne.s32 s16, $0x0;
	[sflag:s9] =	ssyncset.done @!p1 $0x0  }
0x2a: {  	[sflag:s9] =	ssyncadd.s32 @!p1 $0xFFFFFFF8  }
0x2b: {  	[tilespmem:s10], [sflag:$0x1] =	stream.indirect.gather @!p1 [hbm4b:s4+s10], $0x40, s8, s10, $0xb8;
	[tilespmem:$0x208] =	vst v63  }
0x2c: {  	_ =	swait.ge @!p1 [sflag:s11], $0x200  }
0x2d: {  	[sflag:s11] =	ssyncset.done @!p1 $0x0  }
0x2e: {  	[sflag:s11] =	ssyncadd.s32 @!p1 $0xFFFFFE00  }
0x2f: {  	[hbm4b:s5+s8] =	stream.linear.scatter @!p1 [tilespmem:s10], [sflag:$0x2], $0x200, $0x38;
	[tilespmem:$0x208] =	vst v63  }
0x30: {  	_ =	swait.ge @!p1 [sflag:s9], $0x200  }
0x31: {  	[sflag:s9] =	ssyncset.done @!p1 $0x0  }
0x32: {  	[sflag:s9] =	ssyncadd.s32 @!p1 $0xFFFFFE00  }
0x33: {  	[tilespmem:s13], [sflag:$0x2] =	stream.linear.gather @!p0 [hbm4b:s6+s13], $0x8, $0x38;
	[tilespmem:$0x208] =	vst v63  }
0x34: {  	_ =	swait.ge @!p0 [sflag:s12], $0x8  }
0x35: {  	[sflag:s12] =	ssyncset.done @!p0 $0x0  }
0x36: {  	[sflag:s12] =	ssyncadd.s32 @!p0 $0xFFFFFFF8  }
0x37: {  	[tilespmem:s14], [sflag:$0x1] =	stream.indirect.gather @!p0 [hbm4b:s2+s14], $0x40, s13, s14, $0xb8;
	[tilespmem:$0x208] =	vst v63  }
0x38: {  	_ =	swait.ge @!p0 [sflag:s15], $0x200  }
.Ltmp2:
0x39: {  	[sflag:s15] =	ssyncset.done @!p0 $0x0;
	(pc) =	sbr.rel @p3 .LBB2_2-.Ltmp2, $4  }
0x3a: {  	[sflag:s15] =	ssyncadd.s32 @!p0 $0xFFFFFE00  }
0x3b: {  	[hbm4b:s3+s13] =	stream.linear.scatter @!p0 [tilespmem:s14], [sflag:$0x2], $0x200, $0x38;
	[tilespmem:$0x208] =	vst v63  }
0x3c: {  	_ =	swait.ge @!p0 [sflag:s12], $0x200  }
0x3d: {  	[sflag:s12] =	ssyncset.done @!p0 $0x0  }
.LBB2_3:
0x3e: {  	p2 =	por p0, !p2  }
0x3f: {  	s8 =	simm.s32 @!p1 $0x0;
	s9 =	simm.s32 @!p1 $0x2;
	[sflag:s12] =	ssyncadd.s32 @!p2 $0xFFFFFE00  }
0x40: {  	[tilespmem:s8], [sflag:$0x2] =	stream.linear.gather @!p1 [hbm4b:s7+s8], $0x8, $0x38;
	[tilespmem:$0x208] =	vst v63  }
0x41: {  	_ =	swait.ge @!p1 [sflag:s9], $0x8  }
0x42: {  	[sflag:s9] =	ssyncset.done @!p1 $0x0  }
0x43: {  	s10 =	simm.s32 @!p1 $0x1;
	s7 =	simm.s32 @!p1 $0x8;
	[sflag:s9] =	ssyncadd.s32 @!p1 $0xFFFFFFF8  }
0x44: {  	[tilespmem:s7], [sflag:$0x1] =	stream.indirect.gather @!p1 [hbm4b:s4+s7], $0x40, s8, s7, $0xb8;
	[tilespmem:$0x208] =	vst v63  }
0x45: {  	_ =	swait.ge @!p1 [sflag:s10], $0x200  }
0x46: {  	[sflag:s10] =	ssyncset.done @!p1 $0x0  }
0x47: {  	[sflag:s10] =	ssyncadd.s32 @!p1 $0xFFFFFE00  }
0x48: {  	[hbm4b:s5+s8] =	stream.linear.scatter @!p1 [tilespmem:s7], [sflag:$0x2], $0x200, $0x38;
	[tilespmem:$0x208] =	vst v63  }
0x49: {  	_ =	swait.ge @!p1 [sflag:s9], $0x200  }
0x4a: {  	[sflag:s9] =	ssyncset.done @!p1 $0x0  }
0x4b: {  	s4 =	simm.s32 @!p0 $0x0;
	s5 =	simm.s32 @!p0 $0x2;
	[sflag:s9] =	ssyncadd.s32 @!p1 $0xFFFFFE00  }
0x4c: {  	[tilespmem:s4], [sflag:$0x2] =	stream.linear.gather @!p0 [hbm4b:s6+s4], $0x8, $0x38;
	[tilespmem:$0x208] =	vst v63  }
0x4d: {  	_ =	swait.ge @!p0 [sflag:s5], $0x8  }
0x4e: {  	[sflag:s5] =	ssyncset.done @!p0 $0x0  }
0x4f: {  	s7 =	simm.s32 @!p0 $0x1;
	s6 =	simm.s32 @!p0 $0x8;
	[sflag:s5] =	ssyncadd.s32 @!p0 $0xFFFFFFF8  }
0x50: {  	[tilespmem:s6], [sflag:$0x1] =	stream.indirect.gather @!p0 [hbm4b:s2+s6], $0x40, s4, s6, $0xb8;
	[tilespmem:$0x208] =	vst v63  }
0x51: {  	_ =	swait.ge @!p0 [sflag:s7], $0x200  }
0x52: {  	[sflag:s7] =	ssyncset.done @!p0 $0x0  }
0x53: {  	[sflag:s7] =	ssyncadd.s32 @!p0 $0xFFFFFE00  }
0x54: {  	[hbm4b:s3+s4] =	stream.linear.scatter @!p0 [tilespmem:s6], [sflag:$0x2], $0x200, $0x38;
	[tilespmem:$0x208] =	vst v63  }
0x55: {  	_ =	swait.ge @!p0 [sflag:s5], $0x200  }
0x56: {  	[sflag:s5] =	ssyncset.done @!p0 $0x0  }
0x57: {  	[sflag:s5] =	ssyncadd.s32 @!p0 $0xFFFFFE00  }
0x58: {  	_ =	sfence.sel $0x180000  }
0x59: {  	[bflag:$0x0] =	sbarrier.arrive $0xFFFF  }
0x5a: {  	p0 =	sne.s32 s1, $0x0;
	_ =	strace $0x90000047  }
0x5b: {  	s0 =	sadd.s32 @!p0 $0x100000, s0;
	[bflag:$0x2] =	sbarrier.arrive $0xFFFF  }
0x5c: {  	[sflag:s0] =	ssyncadd.tile.s32 @!p0 $0x1;
	_ =	shalt  }
.Lfunc_end2:
_tile_overlayer_lowered:
.L_overlay_start_2:
0x5d: {  	(tag) =	ssettag $0x2  }
0x5e: {  	s0 =	rddreg [dreg:$0x0];
	s2 =	stileid.u32  }
0x5f: {  	s1 =	rddreg [dreg:$0x1];
	p0 =	sne.s32 s2, $0x0  }
0x60: {  	s3 =	rddreg [dreg:$0x2];
	[bflag:$0x3] =	sbarrier.arrive $0xFFFF;
	s2 =	simm.s32 @!p0 $0x1C02  }
0x61: {  	[timem:s3], [sflag:s2] =	dma.local @!p0 [hbm:s0], s1  }
0x62: {  	s0 =	simm.s32 @!p0 $0x2  }
0x63: {  	_ =	swait.ge @!p0 [sflag:s0], s1  }
0x64: {  	s1 =	ssub.s32 @!p0 $0x0, s1;
	[sflag:s0] =	ssyncset.done @!p0 $0x0  }
0x65: {  	[sflag:s0] =	ssyncadd.s32 @!p0 s1  }
0x66: {  	[bflag:$0x3] =	sbarrier.arrive $0xFFFF  }
0x67: {  	_ =	shalt  }

</sc_bundles>
